<compile_context>
chip_gen: v7x
topology: tpu7x:2x2x1
jax: 0.10.2.dev20260603
libtpu: 0.0.44.dev20260713+nightly
codegen_flags: <defaults>
</compile_context>

<pallas_src>
import functools

import jax
import jax.numpy as jnp
from jax import lax
from jax.experimental import pallas as pl
from jax.experimental.pallas import tpu as pltpu
from jax.experimental.pallas import tpu_sc as plsc

VOCAB = 1000000
DIM = 64
BATCH = 4096
WIDTH = 26
BW = BATCH * WIDTH
NC, NS, L = 2, 16, 16
NW = NC * NS
PER_W = BW // NW
G = 128
NG = PER_W // G

_mesh = plsc.VectorSubcoreMesh(core_axis_name="c", subcore_axis_name="s")


@functools.partial(
    pl.kernel,
    mesh=_mesh,
    out_type=jax.ShapeDtypeStruct((BW, DIM), jnp.float32),
    scratch_types=[
        pltpu.VMEM((NG, G), jnp.int32),
        pltpu.VMEM((G, DIM), jnp.float32),
        pltpu.VMEM((G, DIM), jnp.float32),
        pltpu.SemaphoreType.DMA,
        pltpu.SemaphoreType.DMA,
        pltpu.SemaphoreType.DMA,
        pltpu.SemaphoreType.DMA,
    ],
    compiler_params=pltpu.CompilerParams(
        use_tc_tiling_on_sc=False, needs_layout_passes=False),
)
def _emb_lookup(idx_hbm, table_hbm, out_hbm, idx_v, rows_v0, rows_v1,
                gsem0, gsem1, osem0, osem1):
    wid = lax.axis_index("s") * NC + lax.axis_index("c")
    bufs = (rows_v0, rows_v1)
    gsems = (gsem0, gsem1)
    osems = (osem0, osem1)

    pltpu.sync_copy(idx_hbm.at[pl.ds(wid * NG, NG)], idx_v)

    def mask_zero_rows(buf, j):
        def group(g, carry2):
            iv = idx_v[j, pl.ds(g * L, L)]
            m = iv == 0
            ones = jnp.where(m, jnp.ones((L,), jnp.int32),
                             jnp.zeros((L,), jnp.int32))
            nzero = jnp.sum(ones)

            @pl.when(nzero > 0)
            def _():
                rows = lax.iota(jnp.int32, L) + g * L
                zeros = jnp.zeros((L,), jnp.float32)

                def col(c, carry3):
                    cols = jnp.full((L,), c, jnp.int32)
                    plsc.store_scatter(buf, [rows, cols], zeros, mask=m)
                    return carry3

                lax.fori_loop(0, DIM, col, 0)

            return carry2

        lax.fori_loop(0, G // L, group, 0)

    for b in range(2):
        pltpu.async_copy(table_hbm.at[idx_v.at[b]], bufs[b], gsems[b])

    def step(j, carry):
        for b in range(2):
            jj = 2 * j + b
            buf, gsem, osem = bufs[b], gsems[b], osems[b]
            pltpu.make_async_copy(table_hbm.at[idx_v.at[jj]], buf,
                                  gsem).wait()
            mask_zero_rows(buf, jj)
            dst = out_hbm.at[pl.ds(wid * PER_W + jj * G, G)]
            pltpu.async_copy(buf, dst, osem)
            pltpu.make_async_copy(buf, dst, osem).wait()

            @pl.when(jj + 2 < NG)
            def _():
                pltpu.async_copy(table_hbm.at[idx_v.at[jj + 2]], buf, gsem)

        return carry

    lax.fori_loop(0, NG // 2, step, 0)


def kernel(input, table):
    idx = jnp.maximum(input.astype(jnp.int32), 0).reshape(NW * NG, G)
    out = _emb_lookup(idx, table)
    return out.reshape(BATCH, WIDTH, DIM)

# --- scband reference (transcript-rebuilt; emitter-appended) ---
"""Pipeline reference for scband-embedding-30863634989540 (READ-ONLY COPY).

The authoritative reference and input builder live on the scoring server;
editing this copy changes nothing except your own understanding.
"""

import jax, jax.numpy as jnp
import numpy as np

VOCAB = 1000000
DIM = 64
BATCH = 4096
WIDTH = 26

def setup_inputs(seed: int = 0) -> dict:
    key = jax.random.key(seed)
    k1, k2 = jax.random.split(key)
    inp = jax.random.randint(k1, (BATCH, WIDTH), 0, VOCAB, dtype=jnp.int64) if jax.config.jax_enable_x64 else jax.random.randint(k1, (BATCH, WIDTH), 0, VOCAB).astype(jnp.int32)
    table = jax.random.normal(k2, (VOCAB, DIM), dtype=jnp.float32) * 0.02
    return {"input": inp, "table": table}

def reference(input, table):
    # Embedding lookup: values[i, j] = table[input[i, j]] if input[i, j] != 0 else zeros(dim)
    emb = jnp.take(table, input, axis=0)           # gather -> (B, W, dim)
    mask = (input != 0)[..., None]                  # key 0 is the padding/null key
    values = jnp.where(mask, emb, jnp.zeros_like(emb))
    return values.astype(jnp.float32)

if __name__ == "__main__":
    import jax
    _d = setup_inputs()
    print(jax.jit(kernel)(*tuple(_d.values())))

</pallas_src>

<mosaic_0001>
#map = affine_map<(d0, d1) -> (0, 0)>
module attributes {stable_mosaic.version = 14 : i64} {
  func.func @_emb_lookup(%arg0: i32, %arg1: i32, %arg2: memref<832x128xi32, #tpu.memory_space<hbm>>, %arg3: memref<1000000x64xf32, #tpu.memory_space<hbm>>, %arg4: memref<106496x64xf32, #tpu.memory_space<hbm>>, %arg5: memref<26x128xi32, #tpu.memory_space<vmem>>, %arg6: memref<128x64xf32, #tpu.memory_space<vmem>>, %arg7: memref<128x64xf32, #tpu.memory_space<vmem>>, %arg8: memref<!tpu.dma_semaphore, #tpu.memory_space<semaphore_mem>>, %arg9: memref<!tpu.dma_semaphore, #tpu.memory_space<semaphore_mem>>, %arg10: memref<!tpu.dma_semaphore, #tpu.memory_space<semaphore_mem>>, %arg11: memref<!tpu.dma_semaphore, #tpu.memory_space<semaphore_mem>>) attributes {dimension_semantics = [#tpu.dimension_semantics<core_parallel>, #tpu.dimension_semantics<subcore_parallel>], iteration_bounds = array<i64: 2, 16>, scalar_prefetch = 0 : i64, scratch_operands = 7 : i64, tpu.core_type = #tpu.core_type<sc_vector_subcore>, window_params = [{transform_indices = #map}, {transform_indices = #map}, {transform_indices = #map}]} {
    %mul3A = arith.constant 2 : i32
    %mul3A_0 = arith.muli %arg1, %mul3A : i32
    %add3A = arith.addi %mul3A_0, %arg0 : i32
    %mul3A_1 = arith.constant 26 : i32
    %mul3A_2 = arith.muli %add3A, %mul3A_1 : i32
    "tpu.region"() ({
      %run_scoped3A = tpu.sem_alloc : memref<!tpu.dma_semaphore, #tpu.memory_space<semaphore_mem>>
      %dma_start3A_21 = arith.constant 0 : i32
      %dma_start3A_22 = tpu.memref_slice %arg2[%mul3A_2, %dma_start3A_21] : memref<832x128xi32, #tpu.memory_space<hbm>> -> memref<26x128xi32, #tpu.memory_space<hbm>>
      %dma_start3A_23 = arith.constant 0 : i32
      %dma_start3A_24 = tpu.memref_slice %arg2[%mul3A_2, %dma_start3A_23] : memref<832x128xi32, #tpu.memory_space<hbm>> -> memref<26x128xi32, #tpu.memory_space<hbm>>
      tpu.enqueue_dma source(%dma_start3A_24 : memref<26x128xi32, #tpu.memory_space<hbm>>) target(%arg5 : memref<26x128xi32, #tpu.memory_space<vmem>>) target_semaphore(%run_scoped3A : memref<!tpu.dma_semaphore, #tpu.memory_space<semaphore_mem>>)
      %dma_wait3A = arith.constant 0 : i32
      %dma_wait3A_25 = tpu.memref_slice %arg2[%mul3A_2, %dma_wait3A] : memref<832x128xi32, #tpu.memory_space<hbm>> -> memref<26x128xi32, #tpu.memory_space<hbm>>
      %dma_wait3A_26 = arith.constant 0 : i32
      %dma_wait3A_27 = tpu.memref_slice %arg2[%mul3A_2, %dma_wait3A_26] : memref<832x128xi32, #tpu.memory_space<hbm>> -> memref<26x128xi32, #tpu.memory_space<hbm>>
      tpu.wait_dma2 semaphore(%run_scoped3A : memref<!tpu.dma_semaphore, #tpu.memory_space<semaphore_mem>>) src(%dma_wait3A_27 : memref<26x128xi32, #tpu.memory_space<hbm>>) dst(%arg5 : memref<26x128xi32, #tpu.memory_space<vmem>>)
      tpu.yield
    }) : () -> ()
    %dma_start3A = arith.constant 0 : i32
    %dma_start3A_3 = arith.constant 0 : i32
    %dma_start3A_4 = tpu.memref_slice %arg5[%dma_start3A, %dma_start3A_3] : memref<26x128xi32, #tpu.memory_space<vmem>> -> memref<1x128xi32, #tpu.memory_space<vmem>>
    %dma_start3A_5 = tpu.memref_squeeze %dma_start3A_4 : memref<1x128xi32, #tpu.memory_space<vmem>> -> memref<128xi32, #tpu.memory_space<vmem>>
    %dma_start3A_6 = arith.constant 0 : i32
    %dma_start3A_7 = arith.constant 0 : i32
    %dma_start3A_8 = tpu.memref_slice %arg3[%dma_start3A_6, %dma_start3A_7] : memref<1000000x64xf32, #tpu.memory_space<hbm>> -> memref<1000000x64xf32, #tpu.memory_space<hbm>>
    tpu.enqueue_indirect_dma source(%dma_start3A_8 : memref<1000000x64xf32, #tpu.memory_space<hbm>>) target(%arg6 : memref<128x64xf32, #tpu.memory_space<vmem>>) offsets(%dma_start3A_5 : memref<128xi32, #tpu.memory_space<vmem>>) semaphore(%arg8 : memref<!tpu.dma_semaphore, #tpu.memory_space<semaphore_mem>>)
    %dma_start3A_9 = arith.constant 1 : i32
    %dma_start3A_10 = arith.constant 0 : i32
    %dma_start3A_11 = tpu.memref_slice %arg5[%dma_start3A_9, %dma_start3A_10] : memref<26x128xi32, #tpu.memory_space<vmem>> -> memref<1x128xi32, #tpu.memory_space<vmem>>
    %dma_start3A_12 = tpu.memref_squeeze %dma_start3A_11 : memref<1x128xi32, #tpu.memory_space<vmem>> -> memref<128xi32, #tpu.memory_space<vmem>>
    %dma_start3A_13 = arith.constant 0 : i32
    %dma_start3A_14 = arith.constant 0 : i32
    %dma_start3A_15 = tpu.memref_slice %arg3[%dma_start3A_13, %dma_start3A_14] : memref<1000000x64xf32, #tpu.memory_space<hbm>> -> memref<1000000x64xf32, #tpu.memory_space<hbm>>
    tpu.enqueue_indirect_dma source(%dma_start3A_15 : memref<1000000x64xf32, #tpu.memory_space<hbm>>) target(%arg7 : memref<128x64xf32, #tpu.memory_space<vmem>>) offsets(%dma_start3A_12 : memref<128xi32, #tpu.memory_space<vmem>>) semaphore(%arg9 : memref<!tpu.dma_semaphore, #tpu.memory_space<semaphore_mem>>)
    %scan3A = arith.constant 0 : i32
    %scan3A_16 = arith.constant 0 : i32
    %scan3A_17 = arith.constant 13 : i32
    %scan3A_18 = arith.addi %scan3A_16, %scan3A_17 : i32
    %scan3A_19 = arith.constant 1 : i32
    scf.for %scan3A_21 = %scan3A_16 to %scan3A_18 step %scan3A_19  : i32 {
      %mul3A_22 = arith.constant 2 : i32
      %mul3A_23 = arith.muli %mul3A_22, %scan3A_21 : i32
      %add3A_24 = arith.constant 0 : i32
      %add3A_25 = arith.addi %mul3A_23, %add3A_24 : i32
      %dma_wait3A = arith.constant 0 : i32
      %dma_wait3A_26 = tpu.memref_slice %arg5[%add3A_25, %dma_wait3A] : memref<26x128xi32, #tpu.memory_space<vmem>> -> memref<1x128xi32, #tpu.memory_space<vmem>>
      %dma_wait3A_27 = tpu.memref_squeeze %dma_wait3A_26 : memref<1x128xi32, #tpu.memory_space<vmem>> -> memref<128xi32, #tpu.memory_space<vmem>>
      %dma_wait3A_28 = arith.constant 0 : i32
      %dma_wait3A_29 = arith.constant 0 : i32
      %dma_wait3A_30 = tpu.memref_slice %arg3[%dma_wait3A_28, %dma_wait3A_29] : memref<1000000x64xf32, #tpu.memory_space<hbm>> -> memref<1000000x64xf32, #tpu.memory_space<hbm>>
      tpu.wait_indirect_dma semaphore(%arg8 : memref<!tpu.dma_semaphore, #tpu.memory_space<semaphore_mem>>) src(%dma_wait3A_30 : memref<1000000x64xf32, #tpu.memory_space<hbm>>) dst(%arg6 : memref<128x64xf32, #tpu.memory_space<vmem>>)
      %scan3A_31 = arith.constant 0 : i32
      %scan3A_32 = arith.constant 0 : i32
      %scan3A_33 = arith.constant 8 : i32
      %scan3A_34 = arith.addi %scan3A_32, %scan3A_33 : i32
      %scan3A_35 = arith.constant 1 : i32
      scf.for %scan3A_90 = %scan3A_32 to %scan3A_34 step %scan3A_35  : i32 {
        %mul3A_91 = arith.constant 16 : i32
        %mul3A_92 = arith.muli %scan3A_90, %mul3A_91 : i32
        %get3A = arith.index_cast %add3A_25 : i32 to index
        %get3A_93 = arith.index_cast %mul3A_92 : i32 to index
        %get3A_94 = tpu.vector_load %arg5[%get3A, %get3A_93] {strides = array<i32>} : memref<26x128xi32, #tpu.memory_space<vmem>>, vector<16xi32>,
        %eq3A = arith.constant 0 : i32
        %eq3A_95 = vector.broadcast %eq3A : i32 to vector<16xi32>
        %eq3A_96 = arith.cmpi eq, %get3A_94, %eq3A_95 : vector<16xi32>
        %broadcast_in_dim3A = arith.constant 1 : i32
        %broadcast_in_dim3A_97 = vector.broadcast %broadcast_in_dim3A : i32 to vector<16xi32>
        %broadcast_in_dim3A_98 = arith.constant 0 : i32
        %broadcast_in_dim3A_99 = vector.broadcast %broadcast_in_dim3A_98 : i32 to vector<16xi32>
        %select_n3A = arith.select %eq3A_96, %broadcast_in_dim3A_97, %broadcast_in_dim3A_99 : vector<16xi1>, vector<16xi32>
        %reduce_sum3A = arith.constant true
        %reduce_sum3A_100 = vector.broadcast %reduce_sum3A : i1 to vector<16xi1>
        %reduce_sum3A_101 = tpu.scan <sum>, %select_n3A masked %reduce_sum3A_100 : vector<16xi32>, vector<16xi1> -> vector<16xi32>
        %reduce_sum3A_102 = vector.extract %reduce_sum3A_101[15] : i32 from vector<16xi32>
        %gt3A = arith.constant 0 : i32
        %gt3A_103 = arith.cmpi sgt, %reduce_sum3A_102, %gt3A : i32
        %convert_element_type3A_104 = arith.extui %gt3A_103 : i1 to i32
        %cond3A_105 = arith.constant 0 : i32
        %cond3A_106 = arith.cmpi ne, %convert_element_type3A_104, %cond3A_105 : i32
        scf.if %cond3A_106 {
          %iota3A = tpu.iota {dimensions = array<i32: 0>} : vector<16xi32>
          %mul3A_107 = arith.constant 16 : i32
          %mul3A_108 = arith.muli %scan3A_90, %mul3A_107 : i32
          %add3A_109 = vector.broadcast %mul3A_108 : i32 to vector<16xi32>
          %add3A_110 = arith.addi %iota3A, %add3A_109 : vector<16xi32>
          %broadcast_in_dim3A_111 = arith.constant 0.000000e+00 : f32
          %broadcast_in_dim3A_112 = vector.broadcast %broadcast_in_dim3A_111 : f32 to vector<16xf32>
          %scan3A_113 = arith.constant 0 : i32
          %scan3A_114 = arith.constant 0 : i32
          %scan3A_115 = arith.constant 64 : i32
          %scan3A_116 = arith.addi %scan3A_114, %scan3A_115 : i32
          %scan3A_117 = arith.constant 1 : i32
          scf.for %scan3A_119 = %scan3A_114 to %scan3A_116 step %scan3A_117  : i32 {
            %broadcast_in_dim3A_120 = vector.broadcast %scan3A_119 : i32 to vector<16xi32>
            tpu.vector_store_idx %arg6[%add3A_110, %broadcast_in_dim3A_120], %broadcast_in_dim3A_112 masked %eq3A_96 : memref<128x64xf32, #tpu.memory_space<vmem>>[vector<16xi32>, vector<16xi32>], vector<16xf32>, vector<16xi1>
          }
          %scan3A_118 = arith.constant 64 : i32
        } else {
        }
      }
      %scan3A_36 = arith.constant 8 : i32
      %mul3A_37 = arith.constant 3328 : i32
      %mul3A_38 = arith.muli %add3A, %mul3A_37 : i32
      %mul3A_39 = arith.constant 128 : i32
      %mul3A_40 = arith.muli %add3A_25, %mul3A_39 : i32
      %add3A_41 = arith.addi %mul3A_38, %mul3A_40 : i32
      %dma_start3A_42 = arith.constant 0 : i32
      %dma_start3A_43 = tpu.memref_slice %arg4[%add3A_41, %dma_start3A_42] : memref<106496x64xf32, #tpu.memory_space<hbm>> -> memref<128x64xf32, #tpu.memory_space<hbm>>
      %dma_start3A_44 = arith.constant 0 : i32
      %dma_start3A_45 = tpu.memref_slice %arg4[%add3A_41, %dma_start3A_44] : memref<106496x64xf32, #tpu.memory_space<hbm>> -> memref<128x64xf32, #tpu.memory_space<hbm>>
      tpu.enqueue_dma source(%arg6 : memref<128x64xf32, #tpu.memory_space<vmem>>) target(%dma_start3A_45 : memref<128x64xf32, #tpu.memory_space<hbm>>) target_semaphore(%arg10 : memref<!tpu.dma_semaphore, #tpu.memory_space<semaphore_mem>>)
      %dma_wait3A_46 = arith.constant 0 : i32
      %dma_wait3A_47 = tpu.memref_slice %arg4[%add3A_41, %dma_wait3A_46] : memref<106496x64xf32, #tpu.memory_space<hbm>> -> memref<128x64xf32, #tpu.memory_space<hbm>>
      %dma_wait3A_48 = arith.constant 0 : i32
      %dma_wait3A_49 = tpu.memref_slice %arg4[%add3A_41, %dma_wait3A_48] : memref<106496x64xf32, #tpu.memory_space<hbm>> -> memref<128x64xf32, #tpu.memory_space<hbm>>
      tpu.wait_dma2 semaphore(%arg10 : memref<!tpu.dma_semaphore, #tpu.memory_space<semaphore_mem>>) src(%arg6 : memref<128x64xf32, #tpu.memory_space<vmem>>) dst(%dma_wait3A_49 : memref<128x64xf32, #tpu.memory_space<hbm>>)
      %add3A_50 = arith.constant 2 : i32
      %add3A_51 = arith.addi %add3A_25, %add3A_50 : i32
      %lt3A = arith.constant 26 : i32
      %lt3A_52 = arith.cmpi slt, %add3A_51, %lt3A : i32
      %convert_element_type3A = arith.extui %lt3A_52 : i1 to i32
      %cond3A = arith.constant 0 : i32
      %cond3A_53 = arith.cmpi ne, %convert_element_type3A, %cond3A : i32
      scf.if %cond3A_53 {
        %add3A_90 = arith.constant 2 : i32
        %add3A_91 = arith.addi %add3A_25, %add3A_90 : i32
        %dma_start3A_92 = arith.constant 0 : i32
        %dma_start3A_93 = tpu.memref_slice %arg5[%add3A_91, %dma_start3A_92] : memref<26x128xi32, #tpu.memory_space<vmem>> -> memref<1x128xi32, #tpu.memory_space<vmem>>
        %dma_start3A_94 = tpu.memref_squeeze %dma_start3A_93 : memref<1x128xi32, #tpu.memory_space<vmem>> -> memref<128xi32, #tpu.memory_space<vmem>>
        %dma_start3A_95 = arith.constant 0 : i32
        %dma_start3A_96 = arith.constant 0 : i32
        %dma_start3A_97 = tpu.memref_slice %arg3[%dma_start3A_95, %dma_start3A_96] : memref<1000000x64xf32, #tpu.memory_space<hbm>> -> memref<1000000x64xf32, #tpu.memory_space<hbm>>
        tpu.enqueue_indirect_dma source(%dma_start3A_97 : memref<1000000x64xf32, #tpu.memory_space<hbm>>) target(%arg6 : memref<128x64xf32, #tpu.memory_space<vmem>>) offsets(%dma_start3A_94 : memref<128xi32, #tpu.memory_space<vmem>>) semaphore(%arg8 : memref<!tpu.dma_semaphore, #tpu.memory_space<semaphore_mem>>)
      } else {
      }
      %mul3A_54 = arith.constant 2 : i32
      %mul3A_55 = arith.muli %mul3A_54, %scan3A_21 : i32
      %add3A_56 = arith.constant 1 : i32
      %add3A_57 = arith.addi %mul3A_55, %add3A_56 : i32
      %dma_wait3A_58 = arith.constant 0 : i32
      %dma_wait3A_59 = tpu.memref_slice %arg5[%add3A_57, %dma_wait3A_58] : memref<26x128xi32, #tpu.memory_space<vmem>> -> memref<1x128xi32, #tpu.memory_space<vmem>>
      %dma_wait3A_60 = tpu.memref_squeeze %dma_wait3A_59 : memref<1x128xi32, #tpu.memory_space<vmem>> -> memref<128xi32, #tpu.memory_space<vmem>>
      %dma_wait3A_61 = arith.constant 0 : i32
      %dma_wait3A_62 = arith.constant 0 : i32
      %dma_wait3A_63 = tpu.memref_slice %arg3[%dma_wait3A_61, %dma_wait3A_62] : memref<1000000x64xf32, #tpu.memory_space<hbm>> -> memref<1000000x64xf32, #tpu.memory_space<hbm>>
      tpu.wait_indirect_dma semaphore(%arg9 : memref<!tpu.dma_semaphore, #tpu.memory_space<semaphore_mem>>) src(%dma_wait3A_63 : memref<1000000x64xf32, #tpu.memory_space<hbm>>) dst(%arg7 : memref<128x64xf32, #tpu.memory_space<vmem>>)
      %scan3A_64 = arith.constant 0 : i32
      %scan3A_65 = arith.constant 0 : i32
      %scan3A_66 = arith.constant 8 : i32
      %scan3A_67 = arith.addi %scan3A_65, %scan3A_66 : i32
      %scan3A_68 = arith.constant 1 : i32
      scf.for %scan3A_90 = %scan3A_65 to %scan3A_67 step %scan3A_68  : i32 {
        %mul3A_91 = arith.constant 16 : i32
        %mul3A_92 = arith.muli %scan3A_90, %mul3A_91 : i32
        %get3A = arith.index_cast %add3A_57 : i32 to index
        %get3A_93 = arith.index_cast %mul3A_92 : i32 to index
        %get3A_94 = tpu.vector_load %arg5[%get3A, %get3A_93] {strides = array<i32>} : memref<26x128xi32, #tpu.memory_space<vmem>>, vector<16xi32>,
        %eq3A = arith.constant 0 : i32
        %eq3A_95 = vector.broadcast %eq3A : i32 to vector<16xi32>
        %eq3A_96 = arith.cmpi eq, %get3A_94, %eq3A_95 : vector<16xi32>
        %broadcast_in_dim3A = arith.constant 1 : i32
        %broadcast_in_dim3A_97 = vector.broadcast %broadcast_in_dim3A : i32 to vector<16xi32>
        %broadcast_in_dim3A_98 = arith.constant 0 : i32
        %broadcast_in_dim3A_99 = vector.broadcast %broadcast_in_dim3A_98 : i32 to vector<16xi32>
        %select_n3A = arith.select %eq3A_96, %broadcast_in_dim3A_97, %broadcast_in_dim3A_99 : vector<16xi1>, vector<16xi32>
        %reduce_sum3A = arith.constant true
        %reduce_sum3A_100 = vector.broadcast %reduce_sum3A : i1 to vector<16xi1>
        %reduce_sum3A_101 = tpu.scan <sum>, %select_n3A masked %reduce_sum3A_100 : vector<16xi32>, vector<16xi1> -> vector<16xi32>
        %reduce_sum3A_102 = vector.extract %reduce_sum3A_101[15] : i32 from vector<16xi32>
        %gt3A = arith.constant 0 : i32
        %gt3A_103 = arith.cmpi sgt, %reduce_sum3A_102, %gt3A : i32
        %convert_element_type3A_104 = arith.extui %gt3A_103 : i1 to i32
        %cond3A_105 = arith.constant 0 : i32
        %cond3A_106 = arith.cmpi ne, %convert_element_type3A_104, %cond3A_105 : i32
        scf.if %cond3A_106 {
          %iota3A = tpu.iota {dimensions = array<i32: 0>} : vector<16xi32>
          %mul3A_107 = arith.constant 16 : i32
          %mul3A_108 = arith.muli %scan3A_90, %mul3A_107 : i32
          %add3A_109 = vector.broadcast %mul3A_108 : i32 to vector<16xi32>
          %add3A_110 = arith.addi %iota3A, %add3A_109 : vector<16xi32>
          %broadcast_in_dim3A_111 = arith.constant 0.000000e+00 : f32
          %broadcast_in_dim3A_112 = vector.broadcast %broadcast_in_dim3A_111 : f32 to vector<16xf32>
          %scan3A_113 = arith.constant 0 : i32
          %scan3A_114 = arith.constant 0 : i32
          %scan3A_115 = arith.constant 64 : i32
          %scan3A_116 = arith.addi %scan3A_114, %scan3A_115 : i32
          %scan3A_117 = arith.constant 1 : i32
          scf.for %scan3A_119 = %scan3A_114 to %scan3A_116 step %scan3A_117  : i32 {
            %broadcast_in_dim3A_120 = vector.broadcast %scan3A_119 : i32 to vector<16xi32>
            tpu.vector_store_idx %arg7[%add3A_110, %broadcast_in_dim3A_120], %broadcast_in_dim3A_112 masked %eq3A_96 : memref<128x64xf32, #tpu.memory_space<vmem>>[vector<16xi32>, vector<16xi32>], vector<16xf32>, vector<16xi1>
          }
          %scan3A_118 = arith.constant 64 : i32
        } else {
        }
      }
      %scan3A_69 = arith.constant 8 : i32
      %mul3A_70 = arith.constant 3328 : i32
      %mul3A_71 = arith.muli %add3A, %mul3A_70 : i32
      %mul3A_72 = arith.constant 128 : i32
      %mul3A_73 = arith.muli %add3A_57, %mul3A_72 : i32
      %add3A_74 = arith.addi %mul3A_71, %mul3A_73 : i32
      %dma_start3A_75 = arith.constant 0 : i32
      %dma_start3A_76 = tpu.memref_slice %arg4[%add3A_74, %dma_start3A_75] : memref<106496x64xf32, #tpu.memory_space<hbm>> -> memref<128x64xf32, #tpu.memory_space<hbm>>
      %dma_start3A_77 = arith.constant 0 : i32
      %dma_start3A_78 = tpu.memref_slice %arg4[%add3A_74, %dma_start3A_77] : memref<106496x64xf32, #tpu.memory_space<hbm>> -> memref<128x64xf32, #tpu.memory_space<hbm>>
      tpu.enqueue_dma source(%arg7 : memref<128x64xf32, #tpu.memory_space<vmem>>) target(%dma_start3A_78 : memref<128x64xf32, #tpu.memory_space<hbm>>) target_semaphore(%arg11 : memref<!tpu.dma_semaphore, #tpu.memory_space<semaphore_mem>>)
      %dma_wait3A_79 = arith.constant 0 : i32
      %dma_wait3A_80 = tpu.memref_slice %arg4[%add3A_74, %dma_wait3A_79] : memref<106496x64xf32, #tpu.memory_space<hbm>> -> memref<128x64xf32, #tpu.memory_space<hbm>>
      %dma_wait3A_81 = arith.constant 0 : i32
      %dma_wait3A_82 = tpu.memref_slice %arg4[%add3A_74, %dma_wait3A_81] : memref<106496x64xf32, #tpu.memory_space<hbm>> -> memref<128x64xf32, #tpu.memory_space<hbm>>
      tpu.wait_dma2 semaphore(%arg11 : memref<!tpu.dma_semaphore, #tpu.memory_space<semaphore_mem>>) src(%arg7 : memref<128x64xf32, #tpu.memory_space<vmem>>) dst(%dma_wait3A_82 : memref<128x64xf32, #tpu.memory_space<hbm>>)
      %add3A_83 = arith.constant 2 : i32
      %add3A_84 = arith.addi %add3A_57, %add3A_83 : i32
      %lt3A_85 = arith.constant 26 : i32
      %lt3A_86 = arith.cmpi slt, %add3A_84, %lt3A_85 : i32
      %convert_element_type3A_87 = arith.extui %lt3A_86 : i1 to i32
      %cond3A_88 = arith.constant 0 : i32
      %cond3A_89 = arith.cmpi ne, %convert_element_type3A_87, %cond3A_88 : i32
      scf.if %cond3A_89 {
        %add3A_90 = arith.constant 2 : i32
        %add3A_91 = arith.addi %add3A_57, %add3A_90 : i32
        %dma_start3A_92 = arith.constant 0 : i32
        %dma_start3A_93 = tpu.memref_slice %arg5[%add3A_91, %dma_start3A_92] : memref<26x128xi32, #tpu.memory_space<vmem>> -> memref<1x128xi32, #tpu.memory_space<vmem>>
        %dma_start3A_94 = tpu.memref_squeeze %dma_start3A_93 : memref<1x128xi32, #tpu.memory_space<vmem>> -> memref<128xi32, #tpu.memory_space<vmem>>
        %dma_start3A_95 = arith.constant 0 : i32
        %dma_start3A_96 = arith.constant 0 : i32
        %dma_start3A_97 = tpu.memref_slice %arg3[%dma_start3A_95, %dma_start3A_96] : memref<1000000x64xf32, #tpu.memory_space<hbm>> -> memref<1000000x64xf32, #tpu.memory_space<hbm>>
        tpu.enqueue_indirect_dma source(%dma_start3A_97 : memref<1000000x64xf32, #tpu.memory_space<hbm>>) target(%arg7 : memref<128x64xf32, #tpu.memory_space<vmem>>) offsets(%dma_start3A_94 : memref<128xi32, #tpu.memory_space<vmem>>) semaphore(%arg9 : memref<!tpu.dma_semaphore, #tpu.memory_space<semaphore_mem>>)
      } else {
      }
    }
    %scan3A_20 = arith.constant 13 : i32
    return
  }
}

</mosaic_0001>

<sc_bundles>
// kernel: kernel.3.cloned.1.call-start
scs
__scs_entry_jumppad:
0x0: {  	(pc) =	sbr.rel $0x88, $3  }
0x1: {  	(tag) =	ssettag $0x0;
	lr =	simm.s32 $0x1  }
0x2: {  	[smem:$0x3F9F] =	sst lr;
	_ =	strace $0xD0000000  }
0x3: {  	_ = 	snop  }
0x4: {  	_ = 	snop  }
0x5: {  	_ = 	snop  }
0x6: {  	_ = 	snop  }
0x7: {  	_ = 	snop  }
__scs_overlays_trampoline_lowered:
0x8: {  	[smem:$0x3FAE] =	sst s0  }
0x9: {  	[smem:$0x3FAF] =	sst s1  }
0xa: {  	[smem:$0x3FB0] =	sst s2  }
0xb: {  	[smem:$0x3FB1] =	sst s3  }
0xc: {  	[smem:$0x3FB2] =	sst s4  }
0xd: {  	[smem:$0x3FB3] =	sst s5  }
0xe: {  	[smem:$0x3FB4] =	sst s6  }
0xf: {  	[smem:$0x3FB5] =	sst s7  }
0x10: {  	[smem:$0x3FB6] =	sst s8  }
0x11: {  	[smem:$0x3FB7] =	sst s9;
	s0 =	simm.s32 @!p0 $0x0  }
0x12: {  	s1 =	sld [smem:$0x3F9D];
	s0 =	simm.s32 @p0 $0x1  }
0x13: {  	[smem:$0x3FB8] =	sst s0;
	s0 =	simm.s32 @!p1 $0x0  }
0x14: {  	s2 =	sld [smem:$0x3F9C];
	s0 =	simm.s32 @p1 $0x1  }
0x15: {  	[smem:$0x3FB9] =	sst s0;
	s0 =	simm.s32 @!p2 $0x0  }
0x16: {  	s3 =	sld [smem:$0x3FDB];
	s0 =	simm.s32 @p2 $0x1  }
0x17: {  	s4 =	simm.s32 $0x1BF5;
	[smem:$0x3FBB] =	sst s0  }
0x18: {  	s0 =	sld [smem:$0x3F9E];
	_ =	swait.ge [sflag:s4], $0x0  }
0x19: {  	s7 =	sld [smem:$0x3F9F]  }
0x1a: {  	s8 =	sadd.s32 $0xFFFFE003, lr  }
0x1b: {  	s9 =	sadd.s32 $0xFFFFFEF7, lr;
	s5 =	simm.s32 $0xFFFFFFFF;
	p2 =	slt.u32 s8, $0xFFFFF086  }
0x1c: {  	p1 =	slt.u32 s9, $0xF7A;
	s5 =	simm.s32 @!p2 $0x0  }
0x1d: {  	s5 =	simm.s32 @p1 $0x1;
	p0 =	seq.s32 s7, s2  }
0x1e: {  	s7 =	smul.u32 @!p0 $0xF7A, s2;
	p2 =	seq.s32 @!p0 s5, $0x0  }
0x1f: {  	s9 =	smul.u32 $0xF7A, s1;
	s8 =	simm.s32 @!p0 $0x1BF5;
	p2 =	por !p2, p0  }
0x20: {  	[sflag:s8] =	ssyncset.s32 @!p0 $0xFFFFF086;
	s6 =	sadd.s32 @!p0 s3, s7;
	s7 =	simm.s32 @!p0 $0x108  }
0x21: {  	s3 =	sadd.s32 s3, s9;
	s6 =	sadd.s32 @!p0 $0x88, s6;
	s7 =	simm.s32 @p2 $0x1082  }
0x22: {  	[simem:s7], [sflag:s8] =	dma.local @!p0 [hbm:s6], $0xF7A  }
0x23: {  	s9 =	sor.u32 $0xD0000000, s2;
	s6 =	simm.s32 $0x108;
	_ =	swait.ge @!p0 [sflag:s8], $0x0  }
0x24: {  	s3 =	sadd.s32 $0x88, s3;
	s6 =	simm.s32 @!p1 $0x1082;
	[sflag:s4] =	ssyncset.s32 $0xFFFFF086  }
0x25: {  	[simem:s6], [sflag:s4] =	dma.local [hbm:s3], $0xF7A  }
0x26: {  	[smem:$0x3F9F] =	sst s1;
	(tag) =	ssettag s2;
	_ =	strace s9  }
0x27: {  	s1 =	sld [smem:$0x3FAF]  }
0x28: {  	s2 =	sld [smem:$0x3FB0]  }
0x29: {  	s4 =	sld [smem:$0x3FB2]  }
0x2a: {  	p0 =	seq.s32 s5, $0x0;
	s5 =	sld [smem:$0x3FB3]  }
0x2b: {  	s6 =	sld [smem:$0x3FB4]  }
0x2c: {  	s7 =	sld [smem:$0x3FB5]  }
0x2d: {  	s3 =	simm.s32 $0x108;
	s8 =	sld [smem:$0x3FB6]  }
0x2e: {  	s3 =	simm.s32 @!p0 $0x1082;
	s9 =	sld [smem:$0x3FB7]  }
0x2f: {  	lr =	sadd.s32 s0, s3;
	s0 =	sld [smem:$0x3FAE]  }
0x30: {  	s3 =	sld [smem:$0x3FB1]  }
0x31: {  	[smem:$0x3FBA] =	sst s10  }
0x32: {  	s10 =	sld [smem:$0x3FB8];
	_ =	sdelay $0x3  }
0x33: {  	p0 =	seq.s32 s10, $0x1;
	s10 =	sld [smem:$0x3FBA];
	_ =	sdelay $0x3  }
0x34: {  	[smem:$0x3FBA] =	sst s10  }
0x35: {  	s10 =	sld [smem:$0x3FB9];
	_ =	sdelay $0x3  }
0x36: {  	p1 =	seq.s32 s10, $0x1;
	s10 =	sld [smem:$0x3FBA];
	_ =	sdelay $0x3  }
0x37: {  	[smem:$0x3FBA] =	sst s10  }
0x38: {  	s10 =	sld [smem:$0x3FBB]  }
0x39: {  	_ = 	snop;
	(pc) =	sbr.ind lr, $3  }
0x3a: {  	_ = 	snop  }
0x3b: {  	_ = 	snop  }
0x3c: {  	p2 =	seq.s32 s10, $0x1;
	s10 =	sld [smem:$0x3FBA]  }
0x3d: {  	_ =	shalt  }
0x3e: {  	_ =	shalt  }
0x3f: {  	_ =	shalt  }
0x40: {  	_ =	shalt  }
0x41: {  	_ =	shalt  }
0x42: {  	_ =	shalt  }
0x43: {  	_ =	shalt  }
0x44: {  	_ =	shalt  }
0x45: {  	_ =	shalt  }
0x46: {  	_ =	shalt  }
0x47: {  	_ =	shalt  }
0x48: {  	_ =	shalt  }
0x49: {  	_ =	shalt  }
0x4a: {  	_ =	shalt  }
0x4b: {  	_ =	shalt  }
0x4c: {  	_ =	shalt  }
0x4d: {  	_ =	shalt  }
0x4e: {  	_ =	shalt  }
0x4f: {  	_ =	shalt  }
0x50: {  	_ =	shalt  }
0x51: {  	_ =	shalt  }
0x52: {  	_ =	shalt  }
0x53: {  	_ =	shalt  }
0x54: {  	_ =	shalt  }
0x55: {  	_ =	shalt  }
0x56: {  	_ =	shalt  }
0x57: {  	_ =	shalt  }
0x58: {  	_ =	shalt  }
0x59: {  	_ =	shalt  }
0x5a: {  	_ =	shalt  }
0x5b: {  	_ =	shalt  }
0x5c: {  	_ =	shalt  }
0x5d: {  	_ =	shalt  }
0x5e: {  	_ =	shalt  }
0x5f: {  	_ =	shalt  }
0x60: {  	_ =	shalt  }
0x61: {  	_ =	shalt  }
0x62: {  	_ =	shalt  }
0x63: {  	_ =	shalt  }
0x64: {  	_ =	shalt  }
0x65: {  	_ =	shalt  }
0x66: {  	_ =	shalt  }
0x67: {  	_ =	shalt  }
0x68: {  	_ =	shalt  }
0x69: {  	_ =	shalt  }
0x6a: {  	_ =	shalt  }
0x6b: {  	_ =	shalt  }
0x6c: {  	_ =	shalt  }
0x6d: {  	_ =	shalt  }
0x6e: {  	_ =	shalt  }
0x6f: {  	_ =	shalt  }
0x70: {  	_ =	shalt  }
0x71: {  	_ =	shalt  }
0x72: {  	_ =	shalt  }
0x73: {  	_ =	shalt  }
0x74: {  	_ =	shalt  }
0x75: {  	_ =	shalt  }
0x76: {  	_ =	shalt  }
0x77: {  	_ =	shalt  }
0x78: {  	_ =	shalt  }
0x79: {  	_ =	shalt  }
0x7a: {  	_ =	shalt  }
0x7b: {  	_ =	shalt  }
0x7c: {  	_ =	shalt  }
0x7d: {  	_ =	shalt  }
0x7e: {  	_ =	shalt  }
0x7f: {  	_ =	shalt  }
0x80: {  	_ =	shalt  }
0x81: {  	_ =	shalt  }
0x82: {  	_ =	shalt  }
0x83: {  	_ =	shalt  }
0x84: {  	_ =	shalt  }
0x85: {  	_ =	shalt  }
0x86: {  	_ =	shalt  }
0x87: {  	_ =	shalt  }
.Lfunc_end0:
.L_simem_size_0:
called_computation_lowered:
.L_overlay_start_0:
0x88: {  	s2 =	sld [smem:$0x3FD9]  }
0x89: {  	s3 =	sld [smem:$0x3FFE];
	_ =	sdelay $0x1  }
0x8a: {  	s1 =	srdreg.scid  }
0x8b: {  	s0 =	sand.u32 $0x1, s1  }
0x8c: {  	s17 =	sshll.u32 s0, $0xA;
	s2 =	sadd.s32 s3, s2  }
0x8d: {  	s2 =	sadd.s32 s2, s17  }
0x8e: {  	[smem:$0x3FC6] =	sst s2  }
0x8f: {  	_ = 	snop  }
0x90: {  	s2 =	sld [smem:$0x3FD0];
	(tm) =	ssettm $0x1  }
0x91: {  	s18 =	sld [smem:$0x3FFB];
	_ =	sdelay $0x3  }
0x92: {  	_ =	strace s18  }
0x93: {  	s3 =	sld [smem:$0x3FFC];
	_ =	sdelay $0x3  }
0x94: {  	_ =	strace s3  }
0x95: {  	s3 =	sld [smem:$0x3FFD];
	_ =	sdelay $0x3  }
0x96: {  	_ =	strace s3  }
0x97: {  	_ =	strace $0x8FFFFFFF  }
0x98: {  	s19 =	sld [smem:$0x3FDB];
	_ =	sdelay $0x1  }
0x99: {  	s4 =	simm.s32 $_scs_section_size  }
0x9a: {  	s5 =	simm.s32 $_size__tile_overlayer_lowered;
	s6 =	simm.s32 $_tile_overlayer_lowered  }
0x9b: {  	s22 =	simm.s32 $0x1BFF;
	s21 =	sshll.u32 s6, $0x1;
	s3 =	sadd.s32 s4, s19  }
0x9c: {  	s7 =	simm.s32 $0x0;
	s20 =	sshll.u32 s5, $0x1;
	s5 =	sadd.s32 s21, s3  }
0x9d: {  	[timem:s7], [sflag:s22] =	dma.local [hbm:s5], s20  }
0x9e: {  	_ =	swait.ge [sflag:s22], s20  }
0x9f: {  	s4 =	ssub.s32 $0x0, s20;
	[sflag:s22] =	ssyncset.done $0x0  }
0xa0: {  	[sflag:s22] =	ssyncadd.s32 s4;
	_ =	sdelay $0x1  }
0xa1: {  	s23 =	simm.s32 $0x1B8B  }
0xa2: {  	_ =	swait.ge [sflag:s23], $0x1  }
0xa3: {  	[sflag:s23] =	ssyncset.done $0x0  }
0xa4: {  	s25 =	simm.s32 $0x1B8E;
	s24 =	sld [smem:$0x3FFE];
	[sflag:s23] =	ssyncadd.s32 $0xFFFFFFFF  }
0xa5: {  	s26 =	simm.s32 $execute0_lowered;
	[smem:$0x3FD2] =	sst s25  }
0xa6: {  	s5 =	sshll.u32 s26, $0x1;
	_ =	strace $0x80000046;
	[dreg:$0x1] =	wrdreg $0xFFFFFFFF  }
0xa7: {  	s28 =	simm.s32 $_size_execute0_lowered;
	s3 =	sadd.s32 s3, s5;
	[dreg:$0x0] =	wrdreg $0x0  }
0xa8: {  	s5 =	sshll.u32 s28, $0x1;
	[dreg:$0x2] =	wrdreg s3  }
0xa9: {  	[dreg:$0x3] =	wrdreg s5  }
0xaa: {  	[dreg:$0x4] =	wrdreg $0xC0  }
0xab: {  	_ =	task [dreg:s7], $0x5FFFF  }
0xac: {  	[dreg:$0x1] =	wrdreg $0xFFFFFFFF  }
0xad: {  	[dreg:$0x0] =	wrdreg $0x60  }
0xae: {  	[dreg:$0x2] =	wrdreg s24  }
0xaf: {  	[dreg:$0x3] =	wrdreg s2  }
0xb0: {  	[dreg:$0x4] =	wrdreg $0x9  }
0xb1: {  	_ =	task.clear_ibuf [dreg:s7], $0x5FFFF;
	_ =	strace $0x90000046  }
0xb2: {  	s29 =	simm.s32 $0x9;
	_ =	strace $0x80000048  }
0xb3: {  	_ =	swait.ge [sflag:s29], $0x1  }
0xb4: {  	[sflag:s29] =	ssyncadd.s32 $0xFFFFFFFF  }
0xb5: {  	_ =	strace $0x90000048  }
0xb6: {  	_ =	sfence  }
0xb7: {  	s30 =	sld [smem:$0x0];
	_ =	sdelay $0x2  }
0xb8: {  	s31 =	sshll.u32 s1, $0xD;
	s1 =	sshrl.u32 s1, $0x2  }
0xb9: {  	s3 =	sand.u32 $0x4000, s31;
	s1 =	sadd.s32 s1, s30  }
0xba: {  	s0 =	sor.u32 s3, s0;
	s1 =	sshll.u32 s1, $0x11  }
0xbb: {  	s0 =	sor.u32 s1, s0  }
0xbc: {  	s0 =	sadd.s32 $0x8F2B, s0  }
0xbd: {  	[sflag:s0] =	ssyncadd.remote.s32 $0x1  }
0xbe: {  	_ =	sfence.sel $0xFFFF  }
0xbf: {  	[dreg:$0x0] =	wrdreg $0xFFFFFFFF;
	(pc) =	sbr.abs _section_cstart, $3  }
0xc0: {  	[dreg:$0x1] =	wrdreg $0xFFFFFFFF  }
0xc1: {  	_ =	task.clear_ibuf [dreg:s7], $0x2FFFF;
	_ =	strace $0x9FFFFFFF  }
0xc2: {  	(tm) =	ssettm $0x7FFFFFFF  }
0xc3: {  	_ =	shalt  }
tec
execute0_lowered:
.L_overlay_start_1:
0x0: {  	(tag) =	ssettag $0x1  }
0x1: {  	s4 =	rddreg [dreg:$0x0]  }
0x2: {  	s1 =	srdreg.scid;
	s0 =	stileid.u32  }
0x3: {  	s2 =	rddreg [dreg:$0x1];
	s3 =	simm.s32 $0x0;
	s9 =	simm.s32 $0x80  }
0x4: {  	s10 =	simm.s32 $0xD00;
	s11 =	simm.s32 $0x2D00;
	s12 =	simm.s32 $0x1  }
0x5: {  	s13 =	simm.s32 $0x3;
	s14 =	simm.s32 $0x2;
	s15 =	simm.s32 $0x4  }
0x6: {  	s16 =	simm.s32 $0x0;
	s5 =	sand.u32 $0x1, s1;
	s6 =	sshll.u32 s0, $0x1  }
.Ltmp0:
0x7: {  	s1 =	rddreg [dreg:$0x2];
	s6 =	sor.u32 s5, s6;
	(pc) =	sbr.rel .LBB2_1-.Ltmp0, $4  }
0x8: {  	[smem:$0x7FF] =	sst s3;
	s5 =	ssub.s32 $0x2, s5;
	s7 =	smul.u32 $0x1A0, s6  }
0x9: {  	_ =	strace $0x80000047;
	s8 =	sshrl.u32 s5, $0x1;
	s6 =	smul.u32 $0x34000, s6  }
0xa: {  	v1 =	vlaneseq.u32;
	s8 =	ssub.s32 s5, s8;
	s7 =	sadd.s32 s7, s4;
	s4 =	sadd.s32 $0xF42A00, s4  }
0xb: {  	v0 =	vimm.s32 $0x0;
	v2 =	vimm.f32 $0.0e+00;
	v1 =	vmul.u32 $0x40, v1;
	s5 =	sadd.s32 $0x600, s7;
	s7 =	smax.u32 s8, $0x1;
	s8 =	simm.s32 $0x5  }
.LBB2_16:
0xc: {  	s16 =	sadd.s32 $0x1, s16  }
0xd: {  	p0 =	sne.s32 s16, s7  }
.Ltmp1:
0xe: {  	_ = 	snop;
	(pc) =	sbr.rel @!p0 .LBB2_17-.Ltmp1, $1  }
0xf: {  	_ =	sdelay $0x3  }
.LBB2_1:
0x10: {  	[tilespmem:s3], [sflag:$0x5] =	stream.linear.gather [hbm4b:s5+s3], $0xD00, $0x38;
	[tilespmem:$0x4D00] =	vst v63  }
0x11: {  	_ =	swait.ge [sflag:s8], $0xD00  }
0x12: {  	[sflag:s8] =	ssyncset.done $0x0  }
0x13: {  	[sflag:s8] =	ssyncadd.s32 $0xFFFFF300  }
0x14: {  	[tilespmem:s10], [sflag:$0x1] =	stream.indirect.gather [hbm4b:s4+s9], $0x40, s3, s9, $0xb8;
	[tilespmem:$0x4D00] =	vst v63  }
0x15: {  	s17 =	simm.s32 $0x0  }
0x16: {  	[tilespmem:s11], [sflag:$0x2] =	stream.indirect.gather [hbm4b:s4+s9], $0x40, s9, s9, $0xb8;
	[tilespmem:$0x4D00] =	vst v63  }
.LBB2_2:
.Ltmp2:
0x17: {  	(pc) =	sbr.rel .LBB2_3-.Ltmp2, $4  }
0x18: {  	_ = 	snop  }
0x19: {  	_ =	swait.ge [sflag:s12], $0x2000;
	s18 =	sshll.u32 s17, $0x8  }
0x1a: {  	[sflag:s12] =	ssyncset.done $0x0;
	s18 =	sand.u32 $0x3FFFFF00, s18  }
0x1b: {  	s19 =	simm.s32 $0x0;
	[sflag:s12] =	ssyncadd.s32 $0xFFFFE000;
	v3 =	vmov s18  }
.LBB2_6:
0x1c: {  	_ =	sdelay $0x4  }
0x1d: {  	[tilespmem:v5+s10+$0x0] =	vst.idx.msk vm0, v2  }
.LBB2_7:
0x1e: {  	s19 =	sadd.s32 $0x1, s19  }
0x1f: {  	p0 =	sne.s32 s19, $0x8  }
.Ltmp3:
0x20: {  	_ = 	snop;
	(pc) =	sbr.rel @!p0 .LBB2_8-.Ltmp3, $1  }
0x21: {  	_ =	sdelay $0x3  }
.LBB2_3:
0x22: {  	_ =	sdelay $0x2  }
0x23: {  	s20 =	sshll.u32 s19, $0x4  }
0x24: {  	v4 =	vld.idx.msk [tilespmem:v3+s20+$0x0 ss:$0x1], $0xffff;
	_ =	sdelay $0x4  }
0x25: {  	vm0 =	veq.s32 v4, $0x0  }
0x26: {  	v4 =	vsel vm0, $0x1, v0  }
0x27: {  	(xrf0) =	vadd.scan.msk.s32 $0xffff, v4;
	_ =	sdelay $0x5  }
0x28: {  	v4, _, _ =	vpop (xrf0)  }
0x29: {  	(v2sf) =	vpush v4, $0xF;
	_ =	sdelay $0xe  }
0x2a: {  	s21 =	spop (v2sf)  }
0x2b: {  	p0 =	slt.s32 s21, $0x1  }
.Ltmp4:
0x2c: {  	_ = 	snop;
	(pc) =	sbr.rel @p0 .LBB2_7-.Ltmp4, $1  }
0x2d: {  	_ =	sdelay $0x3  }
0x2e: {  	s21 =	simm.s32 $0x0  }
0x2f: {  	v4 =	vmov s21  }
0x30: {  	v5 =	vmov s20;
	v4 =	vand.u32 $0x3F, v4  }
0x31: {  	v5 =	vshll.u32 v5, $0x6;
	v6 =	vbroadcast v4, $0x0  }
0x32: {  	v4 =	vor.u32 v1, v5  }
0x33: {  	s20 =	simm.s32 $0x1;
	v5 =	vor.u32 v4, v6  }
.LBB2_5:
0x34: {  	p0 =	sne.s32 s20, $0x3F  }
.Ltmp5:
0x35: {  	v6 =	vmov s20;
	s20 =	sadd.s32 $0x1, s20;
	(pc) =	sbr.rel @p0 .LBB2_5-.Ltmp5, $4  }
0x36: {  	v6 =	vand.u32 $0x3F, v6  }
0x37: {  	v6 =	vbroadcast v6, $0x0  }
0x38: {  	[tilespmem:v5+s10+$0x0] =	vst.idx.msk vm0, v2  }
0x39: {  	v5 =	vor.u32 v4, v6  }
.Ltmp6:
0x3a: {  	_ = 	snop;
	(pc) =	sbr.rel .LBB2_6-.Ltmp6, $1  }
0x3b: {  	_ =	sdelay $0x3  }
.LBB2_8:
0x3c: {  	s19 =	sshll.u32 s17, $0xE  }
0x3d: {  	s19 =	sadd.s32 s6, s19  }
0x3e: {  	s19 =	sshrl.u32 s19, $0x3  }
0x3f: {  	p0 =	seq.s32 s17, $0xC;
	s19 =	sadd.s32 s2, s19  }
0x40: {  	[hbm4b:s19+s3] =	stream.linear.scatter [tilespmem:s10], [sflag:$0x3], $0x2000, $0x38;
	[tilespmem:$0x4D00] =	vst v63  }
0x41: {  	s29 =	sshll.u32 s17, $0x1;
	s20 =	sadd.s32 @!p0 $0x100, s18;
	_ =	swait.ge [sflag:s13], $0x2000  }
0x42: {  	s21 =	simm.s32 @!p0 $0x80;
	s22 =	simm.s32 @!p0 $0xD00;
	[sflag:s13] =	ssyncset.done $0x0  }
.Ltmp7:
0x43: {  	s19 =	sor.u32 $0x1, s29;
	[sflag:s13] =	ssyncadd.s32 $0xFFFFE000;
	(pc) =	sbr.rel .LBB2_9-.Ltmp7, $4  }
0x44: {  	[tilespmem:s22], [sflag:$0x1] =	stream.indirect.gather @!p0 [hbm4b:s4+s21], $0x40, s20, s21, $0xb8;
	[tilespmem:$0x4D00] =	vst v63  }
0x45: {  	s30 =	sshll.u32 s19, $0x7;
	_ =	swait.ge [sflag:s14], $0x2000  }
0x46: {  	s31 =	sand.u32 $0x3FFFFF80, s30;
	[sflag:s14] =	ssyncset.done $0x0  }
0x47: {  	v3 =	vmov s31;
	s20 =	simm.s32 $0x0;
	[sflag:s14] =	ssyncadd.s32 $0xFFFFE000  }
.LBB2_12:
0x48: {  	_ =	sdelay $0x4  }
0x49: {  	[tilespmem:v5+s11+$0x0] =	vst.idx.msk vm0, v2  }
.LBB2_13:
0x4a: {  	s20 =	sadd.s32 $0x1, s20  }
0x4b: {  	p1 =	sne.s32 s20, $0x8  }
.Ltmp8:
0x4c: {  	_ = 	snop;
	(pc) =	sbr.rel @!p1 .LBB2_14-.Ltmp8, $1  }
0x4d: {  	_ =	sdelay $0x3  }
.LBB2_9:
0x4e: {  	_ =	sdelay $0x2  }
0x4f: {  	s21 =	sshll.u32 s20, $0x4  }
0x50: {  	v4 =	vld.idx.msk [tilespmem:v3+s21+$0x0 ss:$0x1], $0xffff;
	_ =	sdelay $0x4  }
0x51: {  	vm0 =	veq.s32 v4, $0x0  }
0x52: {  	v4 =	vsel vm0, $0x1, v0  }
0x53: {  	(xrf0) =	vadd.scan.msk.s32 $0xffff, v4;
	_ =	sdelay $0x5  }
0x54: {  	v4, _, _ =	vpop (xrf0)  }
0x55: {  	(v2sf) =	vpush v4, $0xF;
	_ =	sdelay $0xe  }
0x56: {  	s22 =	spop (v2sf)  }
0x57: {  	p1 =	slt.s32 s22, $0x1  }
.Ltmp9:
0x58: {  	_ = 	snop;
	(pc) =	sbr.rel @p1 .LBB2_13-.Ltmp9, $1  }
0x59: {  	_ =	sdelay $0x3  }
0x5a: {  	s22 =	simm.s32 $0x0  }
0x5b: {  	v4 =	vmov s22  }
0x5c: {  	v5 =	vmov s21;
	v4 =	vand.u32 $0x3F, v4  }
0x5d: {  	v5 =	vshll.u32 v5, $0x6;
	v6 =	vbroadcast v4, $0x0  }
0x5e: {  	v4 =	vor.u32 v1, v5  }
0x5f: {  	s21 =	simm.s32 $0x1;
	v5 =	vor.u32 v4, v6  }
.LBB2_11:
0x60: {  	p1 =	sne.s32 s21, $0x3F  }
.Ltmp10:
0x61: {  	v6 =	vmov s21;
	s21 =	sadd.s32 $0x1, s21;
	(pc) =	sbr.rel @p1 .LBB2_11-.Ltmp10, $4  }
0x62: {  	v6 =	vand.u32 $0x3F, v6  }
0x63: {  	v6 =	vbroadcast v6, $0x0  }
0x64: {  	[tilespmem:v5+s11+$0x0] =	vst.idx.msk vm0, v2  }
0x65: {  	v5 =	vor.u32 v4, v6  }
.Ltmp11:
0x66: {  	_ = 	snop;
	(pc) =	sbr.rel .LBB2_12-.Ltmp11, $1  }
0x67: {  	_ =	sdelay $0x3  }
.LBB2_14:
0x68: {  	s19 =	sshll.u32 s19, $0xD  }
0x69: {  	s19 =	sadd.s32 s6, s19  }
0x6a: {  	s19 =	sshrl.u32 s19, $0x3  }
.Ltmp12:
0x6b: {  	s19 =	sadd.s32 s2, s19;
	(pc) =	sbr.rel @p0 .LBB2_16-.Ltmp12, $4  }
0x6c: {  	[hbm4b:s19+s3] =	stream.linear.scatter [tilespmem:s11], [sflag:$0x4], $0x2000, $0x38;
	[tilespmem:$0x4D00] =	vst v63  }
0x6d: {  	_ =	swait.ge [sflag:s15], $0x2000  }
0x6e: {  	[sflag:s15] =	ssyncset.done $0x0  }
0x6f: {  	[sflag:s15] =	ssyncadd.s32 $0xFFFFE000  }
.Ltmp13:
0x70: {  	(pc) =	sbr.rel .LBB2_2-.Ltmp13, $3  }
0x71: {  	_ =	sdelay $0x1  }
0x72: {  	s18 =	sadd.s32 $0x180, s18;
	s17 =	sadd.s32 $0x1, s17  }
0x73: {  	[tilespmem:s11], [sflag:$0x2] =	stream.indirect.gather [hbm4b:s4+s9], $0x40, s18, s9, $0xb8;
	[tilespmem:$0x4D00] =	vst v63  }
.LBB2_17:
0x74: {  	_ =	sfence.sel $0x180000  }
0x75: {  	[bflag:$0x0] =	sbarrier.arrive $0xFFFF  }
0x76: {  	p0 =	sne.s32 s0, $0x0;
	_ =	strace $0x90000047  }
0x77: {  	s0 =	sadd.s32 @!p0 $0x100000, s1;
	[bflag:$0x2] =	sbarrier.arrive $0xFFFF  }
0x78: {  	[sflag:s0] =	ssyncadd.tile.s32 @!p0 $0x1;
	_ =	shalt  }
.Lfunc_end2:
_tile_overlayer_lowered:
.L_overlay_start_2:
0x79: {  	(tag) =	ssettag $0x2  }
0x7a: {  	s0 =	rddreg [dreg:$0x0];
	s2 =	stileid.u32  }
0x7b: {  	s1 =	rddreg [dreg:$0x1];
	p0 =	sne.s32 s2, $0x0  }
0x7c: {  	s3 =	rddreg [dreg:$0x2];
	[bflag:$0x3] =	sbarrier.arrive $0xFFFF;
	s2 =	simm.s32 @!p0 $0x1C05  }
0x7d: {  	[timem:s3], [sflag:s2] =	dma.local @!p0 [hbm:s0], s1  }
0x7e: {  	s0 =	simm.s32 @!p0 $0x5  }
0x7f: {  	_ =	swait.ge @!p0 [sflag:s0], s1  }
0x80: {  	s1 =	ssub.s32 @!p0 $0x0, s1;
	[sflag:s0] =	ssyncset.done @!p0 $0x0  }
0x81: {  	[sflag:s0] =	ssyncadd.s32 @!p0 s1  }
0x82: {  	[bflag:$0x3] =	sbarrier.arrive $0xFFFF  }
0x83: {  	_ =	shalt  }

</sc_bundles>
